<compile_context>
chip_gen: v7x
topology: tpu7x:2x2x1
jax: 0.10.2.dev20260603
libtpu: 0.0.44.dev20260713+nightly
codegen_flags: <defaults>
</compile_context>

<pallas_src>
import functools

import jax
import jax.numpy as jnp
from jax import lax
from jax.experimental import pallas as pl
from jax.experimental.pallas import tpu as pltpu
from jax.experimental.pallas import tpu_sc as plsc

_B = 16384
_NS = 16
_L = 16
_RPW = _B // _NS
_STEPS = _RPW // _L

_mesh = plsc.VectorSubcoreMesh(
    core_axis_name="c", subcore_axis_name="s", num_cores=1)


@functools.partial(
    pl.kernel,
    out_type=jax.ShapeDtypeStruct((_L,), jnp.float32),
    mesh=_mesh,
    compiler_params=pltpu.CompilerParams(needs_layout_passes=False),
    scratch_types=[
        pltpu.VMEM((2 * _RPW,), jnp.float32),
        pltpu.VMEM((_RPW,), jnp.int32),
        pltpu.SMEM((2,), jnp.int32),
        pltpu.VMEM((_L,), jnp.float32),
        pltpu.SemaphoreType.DMA,
        pltpu.SemaphoreType.DMA,
    ],
)
def _sc_tpr(o_hbm, t_hbm, out_hbm, o_v, t_v, acc_smem, out_v, sem_o, sem_t):
    sid = lax.axis_index("s")

    @pl.when(sid == 0)
    def _zero():
        acc_smem[0] = 0
        acc_smem[1] = 0

    base = sid * _RPW
    cp_o = pltpu.async_copy(o_hbm.at[pl.ds(base * 2, 2 * _RPW)], o_v, sem_o)
    cp_t = pltpu.async_copy(t_hbm.at[pl.ds(base, _RPW)], t_v, sem_t)
    plsc.subcore_barrier()
    cp_o.wait()
    cp_t.wait()
    lane = lax.iota(jnp.int32, _L)

    z = jnp.zeros((_L,), jnp.int32)

    @plsc.parallel_loop(0, _STEPS, 1, unroll=8, carry=(z, z))
    def _loop(j, carry):
        tp_acc, pos_acc = carry
        ridx = j * _L + lane
        oidx = ridx * 2
        o0 = plsc.load_gather(o_v, [oidx])
        o1 = plsc.load_gather(o_v, [oidx + 1])
        t = t_v[pl.ds(j * _L, _L)]
        tpos = t == 1
        tp_acc = tp_acc + ((o1 > o0) & tpos).astype(jnp.int32)
        pos_acc = pos_acc + tpos.astype(jnp.int32)
        return tp_acc, pos_acc

    tp_acc, pos_acc = _loop
    plsc.fetch_and_add(acc_smem.at[0], jnp.sum(tp_acc), subcore_id=0)
    plsc.fetch_and_add(acc_smem.at[1], jnp.sum(pos_acc), subcore_id=0)
    plsc.subcore_barrier()

    @pl.when(sid == 0)
    def _finish():
        tp_s = acc_smem[0].astype(jnp.float32)
        pos_s = acc_smem[1].astype(jnp.float32)
        tp_v = jnp.zeros((_L,), jnp.float32) + tp_s
        den_v = jnp.zeros((_L,), jnp.float32) + (pos_s + 1e-10)
        magic = jnp.full((_L,), 0x7EF311C3, jnp.int32)
        rec = plsc.bitcast(magic - plsc.bitcast(den_v, jnp.int32), jnp.float32)
        two = jnp.full((_L,), 2.0, jnp.float32)
        for _ in range(4):
            rec = rec * (two - den_v * rec)
        out_v[...] = tp_v * rec
        pltpu.sync_copy(out_v, out_hbm)


def kernel(output, target):
    o_flat = output.reshape(-1)
    t32 = target.astype(jnp.int32)
    res = _sc_tpr(o_flat, t32)
    return res[0]

# --- scband reference (transcript-rebuilt; emitter-appended) ---
"""Pipeline reference for scband-tprate-64544768524313 (READ-ONLY COPY).

The authoritative reference and input builder live on the scoring server;
editing this copy changes nothing except your own understanding.
"""

import jax, jax.numpy as jnp
import numpy as np


def setup_inputs(seed: int = 0) -> dict:
    key = jax.random.key(seed)
    k1, k2 = jax.random.split(key)
    output = jax.random.normal(k1, (16384, 2), dtype=jnp.float32)
    target = jax.random.randint(k2, (16384,), 0, 2, dtype=jnp.int64 if jax.config.jax_enable_x64 else jnp.int32)
    return {"output": output, "target": target}


def reference(output, target):
    B = output.shape[0]
    rows = jnp.arange(B)
    pred = jnp.argmax(output, axis=1)
    pre_mask = jnp.zeros(output.shape, dtype=output.dtype).at[rows, pred].set(1.0)
    tar_mask = jnp.zeros(output.shape, dtype=output.dtype).at[rows, target].set(1.0)
    TP = (pre_mask[:, 1] * tar_mask[:, 1]).astype(jnp.float32).sum()
    FN = (pre_mask[:, 0] * tar_mask[:, 1]).astype(jnp.float32).sum()
    return TP / (TP + FN + 1e-10)

if __name__ == "__main__":
    import jax
    _d = setup_inputs()
    print(jax.jit(kernel)(*tuple(_d.values())))

</pallas_src>

<mosaic_0001>
#map = affine_map<(d0, d1) -> (0)>
module attributes {stable_mosaic.version = 14 : i64} {
  func.func @_sc_tpr(%arg0: i32, %arg1: i32, %arg2: memref<32768xf32, #tpu.memory_space<hbm>>, %arg3: memref<16384xi32, #tpu.memory_space<hbm>>, %arg4: memref<16xf32, #tpu.memory_space<hbm>>, %arg5: memref<2048xf32, #tpu.memory_space<vmem>>, %arg6: memref<1024xi32, #tpu.memory_space<vmem>>, %arg7: memref<2xi32, #tpu.memory_space<smem>>, %arg8: memref<16xf32, #tpu.memory_space<vmem>>, %arg9: memref<!tpu.dma_semaphore, #tpu.memory_space<semaphore_mem>>, %arg10: memref<!tpu.dma_semaphore, #tpu.memory_space<semaphore_mem>>) attributes {dimension_semantics = [#tpu.dimension_semantics<core_parallel>, #tpu.dimension_semantics<subcore_parallel>], iteration_bounds = array<i64: 1, 16>, scalar_prefetch = 0 : i64, scratch_operands = 6 : i64, tpu.core_type = #tpu.core_type<sc_vector_subcore>, window_params = [{transform_indices = #map}, {transform_indices = #map}, {transform_indices = #map}]} {
    %eq3A = arith.constant 0 : i32
    %eq3A_0 = arith.cmpi eq, %arg1, %eq3A : i32
    %convert_element_type3A = arith.extui %eq3A_0 : i1 to i32
    %cond3A = arith.constant 0 : i32
    %cond3A_1 = arith.cmpi ne, %convert_element_type3A, %cond3A : i32
    scf.if %cond3A_1 {
      %swap3A = arith.constant 0 : i32
      %swap3A_33 = arith.constant 0 : i32
      %swap3A_34 = arith.index_cast %swap3A_33 : i32 to index
      %swap3A_35 = memref.load %arg7[%swap3A_34] : memref<2xi32, #tpu.memory_space<smem>>
      memref.store %swap3A, %arg7[%swap3A_34] : memref<2xi32, #tpu.memory_space<smem>>
      %swap3A_36 = arith.constant 0 : i32
      %swap3A_37 = arith.constant 1 : i32
      %swap3A_38 = arith.index_cast %swap3A_37 : i32 to index
      %swap3A_39 = memref.load %arg7[%swap3A_38] : memref<2xi32, #tpu.memory_space<smem>>
      memref.store %swap3A_36, %arg7[%swap3A_38] : memref<2xi32, #tpu.memory_space<smem>>
    } else {
    }
    %mul3A = arith.constant 1024 : i32
    %mul3A_2 = arith.muli %arg1, %mul3A : i32
    %mul3A_3 = arith.constant 2 : i32
    %mul3A_4 = arith.muli %mul3A_2, %mul3A_3 : i32
    %dma_start3A = tpu.memref_slice %arg2[%mul3A_4] : memref<32768xf32, #tpu.memory_space<hbm>> -> memref<2048xf32, #tpu.memory_space<hbm>>
    %dma_start3A_5 = tpu.memref_slice %arg2[%mul3A_4] : memref<32768xf32, #tpu.memory_space<hbm>> -> memref<2048xf32, #tpu.memory_space<hbm>>
    tpu.enqueue_dma source(%dma_start3A_5 : memref<2048xf32, #tpu.memory_space<hbm>>) target(%arg5 : memref<2048xf32, #tpu.memory_space<vmem>>) target_semaphore(%arg9 : memref<!tpu.dma_semaphore, #tpu.memory_space<semaphore_mem>>)
    %dma_start3A_6 = tpu.memref_slice %arg3[%mul3A_2] : memref<16384xi32, #tpu.memory_space<hbm>> -> memref<1024xi32, #tpu.memory_space<hbm>>
    %dma_start3A_7 = tpu.memref_slice %arg3[%mul3A_2] : memref<16384xi32, #tpu.memory_space<hbm>> -> memref<1024xi32, #tpu.memory_space<hbm>>
    tpu.enqueue_dma source(%dma_start3A_7 : memref<1024xi32, #tpu.memory_space<hbm>>) target(%arg6 : memref<1024xi32, #tpu.memory_space<vmem>>) target_semaphore(%arg10 : memref<!tpu.dma_semaphore, #tpu.memory_space<semaphore_mem>>)
    %barrier3A = arith.constant 0 : index
    tpu.barrier barrier_id(%barrier3A)
    %dma_wait3A = tpu.memref_slice %arg2[%mul3A_4] : memref<32768xf32, #tpu.memory_space<hbm>> -> memref<2048xf32, #tpu.memory_space<hbm>>
    %dma_wait3A_8 = tpu.memref_slice %arg2[%mul3A_4] : memref<32768xf32, #tpu.memory_space<hbm>> -> memref<2048xf32, #tpu.memory_space<hbm>>
    tpu.wait_dma2 semaphore(%arg9 : memref<!tpu.dma_semaphore, #tpu.memory_space<semaphore_mem>>) src(%dma_wait3A_8 : memref<2048xf32, #tpu.memory_space<hbm>>) dst(%arg5 : memref<2048xf32, #tpu.memory_space<vmem>>)
    %dma_wait3A_9 = tpu.memref_slice %arg3[%mul3A_2] : memref<16384xi32, #tpu.memory_space<hbm>> -> memref<1024xi32, #tpu.memory_space<hbm>>
    %dma_wait3A_10 = tpu.memref_slice %arg3[%mul3A_2] : memref<16384xi32, #tpu.memory_space<hbm>> -> memref<1024xi32, #tpu.memory_space<hbm>>
    tpu.wait_dma2 semaphore(%arg10 : memref<!tpu.dma_semaphore, #tpu.memory_space<semaphore_mem>>) src(%dma_wait3A_10 : memref<1024xi32, #tpu.memory_space<hbm>>) dst(%arg6 : memref<1024xi32, #tpu.memory_space<vmem>>)
    %iota3A = tpu.iota {dimensions = array<i32: 0>} : vector<16xi32>
    %broadcast_in_dim3A = arith.constant 0 : i32
    %broadcast_in_dim3A_11 = vector.broadcast %broadcast_in_dim3A : i32 to vector<16xi32>
    %parallel_loop3A = arith.constant 0 : i32
    %parallel_loop3A_12 = arith.constant 64 : i32
    %parallel_loop3A_13 = arith.constant 1 : i32
    %parallel_loop3A_14:2 = scf.for %parallel_loop3A_33 = %parallel_loop3A to %parallel_loop3A_12 step %parallel_loop3A_13 iter_args(%parallel_loop3A_34 = %broadcast_in_dim3A_11, %parallel_loop3A_35 = %broadcast_in_dim3A_11) -> (vector<16xi32>, vector<16xi32>)  : i32 {
      %parallel_loop3A_36 = arith.constant 16 : i32
      %parallel_loop3A_37 = arith.muli %parallel_loop3A_33, %parallel_loop3A_36 : i32
      %parallel_loop3A_38 = vector.broadcast %parallel_loop3A_37 : i32 to vector<16xi32>
      %parallel_loop3A_39 = arith.addi %parallel_loop3A_38, %iota3A : vector<16xi32>
      %parallel_loop3A_40 = arith.constant 2 : i32
      %parallel_loop3A_41 = vector.broadcast %parallel_loop3A_40 : i32 to vector<16xi32>
      %parallel_loop3A_42 = arith.muli %parallel_loop3A_39, %parallel_loop3A_41 : vector<16xi32>
      %parallel_loop3A_43 = tpu.vector_load_idx %arg5[%parallel_loop3A_42] : memref<2048xf32, #tpu.memory_space<vmem>>[vector<16xi32>], vector<16xf32>,
      %parallel_loop3A_44 = arith.constant 1 : i32
      %parallel_loop3A_45 = vector.broadcast %parallel_loop3A_44 : i32 to vector<16xi32>
      %parallel_loop3A_46 = arith.addi %parallel_loop3A_42, %parallel_loop3A_45 : vector<16xi32>
      %parallel_loop3A_47 = tpu.vector_load_idx %arg5[%parallel_loop3A_46] : memref<2048xf32, #tpu.memory_space<vmem>>[vector<16xi32>], vector<16xf32>,
      %parallel_loop3A_48 = arith.constant 16 : i32
      %parallel_loop3A_49 = arith.muli %parallel_loop3A_33, %parallel_loop3A_48 : i32
      %parallel_loop3A_50 = arith.index_cast %parallel_loop3A_49 : i32 to index
      %parallel_loop3A_51 = tpu.vector_load %arg6[%parallel_loop3A_50] {strides = array<i32>} : memref<1024xi32, #tpu.memory_space<vmem>>, vector<16xi32>,
      %parallel_loop3A_52 = arith.constant 1 : i32
      %parallel_loop3A_53 = vector.broadcast %parallel_loop3A_52 : i32 to vector<16xi32>
      %parallel_loop3A_54 = arith.cmpi eq, %parallel_loop3A_51, %parallel_loop3A_53 : vector<16xi32>
      %parallel_loop3A_55 = arith.cmpf ogt, %parallel_loop3A_47, %parallel_loop3A_43 : vector<16xf32>
      %parallel_loop3A_56 = arith.andi %parallel_loop3A_55, %parallel_loop3A_54 : vector<16xi1>
      %parallel_loop3A_57 = arith.extui %parallel_loop3A_56 : vector<16xi1> to vector<16xi32>
      %parallel_loop3A_58 = arith.addi %parallel_loop3A_34, %parallel_loop3A_57 : vector<16xi32>
      %parallel_loop3A_59 = arith.extui %parallel_loop3A_54 : vector<16xi1> to vector<16xi32>
      %parallel_loop3A_60 = arith.addi %parallel_loop3A_35, %parallel_loop3A_59 : vector<16xi32>
      scf.yield %parallel_loop3A_58, %parallel_loop3A_60 : vector<16xi32>, vector<16xi32>
    } {sc.loop_unroll_factor = 8 : i64, sc.parallel_access}
    %reduce_sum3A = arith.constant true
    %reduce_sum3A_15 = vector.broadcast %reduce_sum3A : i1 to vector<16xi1>
    %reduce_sum3A_16 = tpu.scan <sum>, %parallel_loop3A_14#0 masked %reduce_sum3A_15 : vector<16xi32>, vector<16xi1> -> vector<16xi32>
    %reduce_sum3A_17 = vector.extract %reduce_sum3A_16[15] : i32 from vector<16xi32>
    %sc_fetch_and_add3A = arith.constant 0 : i32
    %sc_fetch_and_add3A_18 = arith.constant 0 : i32
    %sc_fetch_and_add3A_19 = tpu.fetch_and_add_sync %arg7[%sc_fetch_and_add3A], %reduce_sum3A_17, %sc_fetch_and_add3A_18 : memref<2xi32, #tpu.memory_space<smem>>, i32 -> i32
    %reduce_sum3A_20 = arith.constant true
    %reduce_sum3A_21 = vector.broadcast %reduce_sum3A_20 : i1 to vector<16xi1>
    %reduce_sum3A_22 = tpu.scan <sum>, %parallel_loop3A_14#1 masked %reduce_sum3A_21 : vector<16xi32>, vector<16xi1> -> vector<16xi32>
    %reduce_sum3A_23 = vector.extract %reduce_sum3A_22[15] : i32 from vector<16xi32>
    %sc_fetch_and_add3A_24 = arith.constant 1 : i32
    %sc_fetch_and_add3A_25 = arith.constant 0 : i32
    %sc_fetch_and_add3A_26 = tpu.fetch_and_add_sync %arg7[%sc_fetch_and_add3A_24], %reduce_sum3A_23, %sc_fetch_and_add3A_25 : memref<2xi32, #tpu.memory_space<smem>>, i32 -> i32
    %barrier3A_27 = arith.constant 0 : index
    tpu.barrier barrier_id(%barrier3A_27)
    %eq3A_28 = arith.constant 0 : i32
    %eq3A_29 = arith.cmpi eq, %arg1, %eq3A_28 : i32
    %convert_element_type3A_30 = arith.extui %eq3A_29 : i1 to i32
    %cond3A_31 = arith.constant 0 : i32
    %cond3A_32 = arith.cmpi ne, %convert_element_type3A_30, %cond3A_31 : i32
    scf.if %cond3A_32 {
      %get3A = arith.constant 0 : i32
      %get3A_33 = arith.index_cast %get3A : i32 to index
      %get3A_34 = memref.load %arg7[%get3A_33] : memref<2xi32, #tpu.memory_space<smem>>
      %convert_element_type3A_35 = arith.sitofp %get3A_34 : i32 to f32
      %get3A_36 = arith.constant 1 : i32
      %get3A_37 = arith.index_cast %get3A_36 : i32 to index
      %get3A_38 = memref.load %arg7[%get3A_37] : memref<2xi32, #tpu.memory_space<smem>>
      %convert_element_type3A_39 = arith.sitofp %get3A_38 : i32 to f32
      %broadcast_in_dim3A_40 = arith.constant 0.000000e+00 : f32
      %broadcast_in_dim3A_41 = vector.broadcast %broadcast_in_dim3A_40 : f32 to vector<16xf32>
      %add3A = vector.broadcast %convert_element_type3A_35 : f32 to vector<16xf32>
      %add3A_42 = arith.addf %broadcast_in_dim3A_41, %add3A : vector<16xf32>
      %broadcast_in_dim3A_43 = arith.constant 0.000000e+00 : f32
      %broadcast_in_dim3A_44 = vector.broadcast %broadcast_in_dim3A_43 : f32 to vector<16xf32>
      %add3A_45 = arith.constant 1.000000e-10 : f32
      %add3A_46 = arith.addf %convert_element_type3A_39, %add3A_45 : f32
      %add3A_47 = vector.broadcast %add3A_46 : f32 to vector<16xf32>
      %add3A_48 = arith.addf %broadcast_in_dim3A_44, %add3A_47 : vector<16xf32>
      %broadcast_in_dim3A_49 = arith.constant 2129859011 : i32
      %broadcast_in_dim3A_50 = vector.broadcast %broadcast_in_dim3A_49 : i32 to vector<16xi32>
      %bitcast3A = vector.bitcast %add3A_48 : vector<16xf32> to vector<16xi32>
      %sub3A = arith.subi %broadcast_in_dim3A_50, %bitcast3A : vector<16xi32>
      %bitcast3A_51 = vector.bitcast %sub3A : vector<16xi32> to vector<16xf32>
      %broadcast_in_dim3A_52 = arith.constant 2.000000e+00 : f32
      %broadcast_in_dim3A_53 = vector.broadcast %broadcast_in_dim3A_52 : f32 to vector<16xf32>
      %mul3A_54 = arith.mulf %add3A_48, %bitcast3A_51 : vector<16xf32>
      %sub3A_55 = arith.subf %broadcast_in_dim3A_53, %mul3A_54 : vector<16xf32>
      %mul3A_56 = arith.mulf %bitcast3A_51, %sub3A_55 : vector<16xf32>
      %mul3A_57 = arith.mulf %add3A_48, %mul3A_56 : vector<16xf32>
      %sub3A_58 = arith.subf %broadcast_in_dim3A_53, %mul3A_57 : vector<16xf32>
      %mul3A_59 = arith.mulf %mul3A_56, %sub3A_58 : vector<16xf32>
      %mul3A_60 = arith.mulf %add3A_48, %mul3A_59 : vector<16xf32>
      %sub3A_61 = arith.subf %broadcast_in_dim3A_53, %mul3A_60 : vector<16xf32>
      %mul3A_62 = arith.mulf %mul3A_59, %sub3A_61 : vector<16xf32>
      %mul3A_63 = arith.mulf %add3A_48, %mul3A_62 : vector<16xf32>
      %sub3A_64 = arith.subf %broadcast_in_dim3A_53, %mul3A_63 : vector<16xf32>
      %mul3A_65 = arith.mulf %mul3A_62, %sub3A_64 : vector<16xf32>
      %mul3A_66 = arith.mulf %add3A_42, %mul3A_65 : vector<16xf32>
      %swap3A = arith.constant 0 : index
      %swap3A_67 = tpu.vector_load %arg8[%swap3A] {strides = array<i32>} : memref<16xf32, #tpu.memory_space<vmem>>, vector<16xf32>,
      tpu.vector_store %arg8[%swap3A], %mul3A_66 {strides = array<i32>} : memref<16xf32, #tpu.memory_space<vmem>>, vector<16xf32>,
      "tpu.region"() ({
        %run_scoped3A = tpu.sem_alloc : memref<!tpu.dma_semaphore, #tpu.memory_space<semaphore_mem>>
        tpu.enqueue_dma source(%arg8 : memref<16xf32, #tpu.memory_space<vmem>>) target(%arg4 : memref<16xf32, #tpu.memory_space<hbm>>) target_semaphore(%run_scoped3A : memref<!tpu.dma_semaphore, #tpu.memory_space<semaphore_mem>>)
        tpu.wait_dma2 semaphore(%run_scoped3A : memref<!tpu.dma_semaphore, #tpu.memory_space<semaphore_mem>>) src(%arg8 : memref<16xf32, #tpu.memory_space<vmem>>) dst(%arg4 : memref<16xf32, #tpu.memory_space<hbm>>)
        tpu.yield
      }) : () -> ()
    } else {
    }
    return
  }
}

</mosaic_0001>

<sc_bundles>
// kernel: kernel.3.cloned.1.call-start
scs
__scs_entry_jumppad:
0x0: {  	(pc) =	sbr.rel $0x88, $3  }
0x1: {  	(tag) =	ssettag $0x0;
	lr =	simm.s32 $0x1  }
0x2: {  	[smem:$0x3F9F] =	sst lr;
	_ =	strace $0xD0000000  }
0x3: {  	_ = 	snop  }
0x4: {  	_ = 	snop  }
0x5: {  	_ = 	snop  }
0x6: {  	_ = 	snop  }
0x7: {  	_ = 	snop  }
__scs_overlays_trampoline_lowered:
0x8: {  	[smem:$0x3FAE] =	sst s0  }
0x9: {  	[smem:$0x3FAF] =	sst s1  }
0xa: {  	[smem:$0x3FB0] =	sst s2  }
0xb: {  	[smem:$0x3FB1] =	sst s3  }
0xc: {  	[smem:$0x3FB2] =	sst s4  }
0xd: {  	[smem:$0x3FB3] =	sst s5  }
0xe: {  	[smem:$0x3FB4] =	sst s6  }
0xf: {  	[smem:$0x3FB5] =	sst s7  }
0x10: {  	[smem:$0x3FB6] =	sst s8  }
0x11: {  	[smem:$0x3FB7] =	sst s9;
	s0 =	simm.s32 @!p0 $0x0  }
0x12: {  	s1 =	sld [smem:$0x3F9D];
	s0 =	simm.s32 @p0 $0x1  }
0x13: {  	[smem:$0x3FB8] =	sst s0;
	s0 =	simm.s32 @!p1 $0x0  }
0x14: {  	s2 =	sld [smem:$0x3F9C];
	s0 =	simm.s32 @p1 $0x1  }
0x15: {  	[smem:$0x3FB9] =	sst s0;
	s0 =	simm.s32 @!p2 $0x0  }
0x16: {  	s3 =	sld [smem:$0x3FDB];
	s0 =	simm.s32 @p2 $0x1  }
0x17: {  	s4 =	simm.s32 $0x1BF5;
	[smem:$0x3FBB] =	sst s0  }
0x18: {  	s0 =	sld [smem:$0x3F9E];
	_ =	swait.ge [sflag:s4], $0x0  }
0x19: {  	s7 =	sld [smem:$0x3F9F]  }
0x1a: {  	s8 =	sadd.s32 $0xFFFFE003, lr  }
0x1b: {  	s9 =	sadd.s32 $0xFFFFFEF7, lr;
	s5 =	simm.s32 $0xFFFFFFFF;
	p2 =	slt.u32 s8, $0xFFFFF086  }
0x1c: {  	p1 =	slt.u32 s9, $0xF7A;
	s5 =	simm.s32 @!p2 $0x0  }
0x1d: {  	s5 =	simm.s32 @p1 $0x1;
	p0 =	seq.s32 s7, s2  }
0x1e: {  	s7 =	smul.u32 @!p0 $0xF7A, s2;
	p2 =	seq.s32 @!p0 s5, $0x0  }
0x1f: {  	s9 =	smul.u32 $0xF7A, s1;
	s8 =	simm.s32 @!p0 $0x1BF5;
	p2 =	por !p2, p0  }
0x20: {  	[sflag:s8] =	ssyncset.s32 @!p0 $0xFFFFF086;
	s6 =	sadd.s32 @!p0 s3, s7;
	s7 =	simm.s32 @!p0 $0x108  }
0x21: {  	s3 =	sadd.s32 s3, s9;
	s6 =	sadd.s32 @!p0 $0x88, s6;
	s7 =	simm.s32 @p2 $0x1082  }
0x22: {  	[simem:s7], [sflag:s8] =	dma.local @!p0 [hbm:s6], $0xF7A  }
0x23: {  	s9 =	sor.u32 $0xD0000000, s2;
	s6 =	simm.s32 $0x108;
	_ =	swait.ge @!p0 [sflag:s8], $0x0  }
0x24: {  	s3 =	sadd.s32 $0x88, s3;
	s6 =	simm.s32 @!p1 $0x1082;
	[sflag:s4] =	ssyncset.s32 $0xFFFFF086  }
0x25: {  	[simem:s6], [sflag:s4] =	dma.local [hbm:s3], $0xF7A  }
0x26: {  	[smem:$0x3F9F] =	sst s1;
	(tag) =	ssettag s2;
	_ =	strace s9  }
0x27: {  	s1 =	sld [smem:$0x3FAF]  }
0x28: {  	s2 =	sld [smem:$0x3FB0]  }
0x29: {  	s4 =	sld [smem:$0x3FB2]  }
0x2a: {  	p0 =	seq.s32 s5, $0x0;
	s5 =	sld [smem:$0x3FB3]  }
0x2b: {  	s6 =	sld [smem:$0x3FB4]  }
0x2c: {  	s7 =	sld [smem:$0x3FB5]  }
0x2d: {  	s3 =	simm.s32 $0x108;
	s8 =	sld [smem:$0x3FB6]  }
0x2e: {  	s3 =	simm.s32 @!p0 $0x1082;
	s9 =	sld [smem:$0x3FB7]  }
0x2f: {  	lr =	sadd.s32 s0, s3;
	s0 =	sld [smem:$0x3FAE]  }
0x30: {  	s3 =	sld [smem:$0x3FB1]  }
0x31: {  	[smem:$0x3FBA] =	sst s10  }
0x32: {  	s10 =	sld [smem:$0x3FB8];
	_ =	sdelay $0x3  }
0x33: {  	p0 =	seq.s32 s10, $0x1;
	s10 =	sld [smem:$0x3FBA];
	_ =	sdelay $0x3  }
0x34: {  	[smem:$0x3FBA] =	sst s10  }
0x35: {  	s10 =	sld [smem:$0x3FB9];
	_ =	sdelay $0x3  }
0x36: {  	p1 =	seq.s32 s10, $0x1;
	s10 =	sld [smem:$0x3FBA];
	_ =	sdelay $0x3  }
0x37: {  	[smem:$0x3FBA] =	sst s10  }
0x38: {  	s10 =	sld [smem:$0x3FBB]  }
0x39: {  	_ = 	snop;
	(pc) =	sbr.ind lr, $3  }
0x3a: {  	_ = 	snop  }
0x3b: {  	_ = 	snop  }
0x3c: {  	p2 =	seq.s32 s10, $0x1;
	s10 =	sld [smem:$0x3FBA]  }
0x3d: {  	_ =	shalt  }
0x3e: {  	_ =	shalt  }
0x3f: {  	_ =	shalt  }
0x40: {  	_ =	shalt  }
0x41: {  	_ =	shalt  }
0x42: {  	_ =	shalt  }
0x43: {  	_ =	shalt  }
0x44: {  	_ =	shalt  }
0x45: {  	_ =	shalt  }
0x46: {  	_ =	shalt  }
0x47: {  	_ =	shalt  }
0x48: {  	_ =	shalt  }
0x49: {  	_ =	shalt  }
0x4a: {  	_ =	shalt  }
0x4b: {  	_ =	shalt  }
0x4c: {  	_ =	shalt  }
0x4d: {  	_ =	shalt  }
0x4e: {  	_ =	shalt  }
0x4f: {  	_ =	shalt  }
0x50: {  	_ =	shalt  }
0x51: {  	_ =	shalt  }
0x52: {  	_ =	shalt  }
0x53: {  	_ =	shalt  }
0x54: {  	_ =	shalt  }
0x55: {  	_ =	shalt  }
0x56: {  	_ =	shalt  }
0x57: {  	_ =	shalt  }
0x58: {  	_ =	shalt  }
0x59: {  	_ =	shalt  }
0x5a: {  	_ =	shalt  }
0x5b: {  	_ =	shalt  }
0x5c: {  	_ =	shalt  }
0x5d: {  	_ =	shalt  }
0x5e: {  	_ =	shalt  }
0x5f: {  	_ =	shalt  }
0x60: {  	_ =	shalt  }
0x61: {  	_ =	shalt  }
0x62: {  	_ =	shalt  }
0x63: {  	_ =	shalt  }
0x64: {  	_ =	shalt  }
0x65: {  	_ =	shalt  }
0x66: {  	_ =	shalt  }
0x67: {  	_ =	shalt  }
0x68: {  	_ =	shalt  }
0x69: {  	_ =	shalt  }
0x6a: {  	_ =	shalt  }
0x6b: {  	_ =	shalt  }
0x6c: {  	_ =	shalt  }
0x6d: {  	_ =	shalt  }
0x6e: {  	_ =	shalt  }
0x6f: {  	_ =	shalt  }
0x70: {  	_ =	shalt  }
0x71: {  	_ =	shalt  }
0x72: {  	_ =	shalt  }
0x73: {  	_ =	shalt  }
0x74: {  	_ =	shalt  }
0x75: {  	_ =	shalt  }
0x76: {  	_ =	shalt  }
0x77: {  	_ =	shalt  }
0x78: {  	_ =	shalt  }
0x79: {  	_ =	shalt  }
0x7a: {  	_ =	shalt  }
0x7b: {  	_ =	shalt  }
0x7c: {  	_ =	shalt  }
0x7d: {  	_ =	shalt  }
0x7e: {  	_ =	shalt  }
0x7f: {  	_ =	shalt  }
0x80: {  	_ =	shalt  }
0x81: {  	_ =	shalt  }
0x82: {  	_ =	shalt  }
0x83: {  	_ =	shalt  }
0x84: {  	_ =	shalt  }
0x85: {  	_ =	shalt  }
0x86: {  	_ =	shalt  }
0x87: {  	_ =	shalt  }
.Lfunc_end0:
.L_simem_size_0:
called_computation_lowered:
.L_overlay_start_0:
0x88: {  	s0 =	sld [smem:$0x3FD9]  }
0x89: {  	s1 =	sld [smem:$0x3FFE];
	_ =	sdelay $0x3  }
0x8a: {  	s0 =	sadd.s32 s1, s0  }
0x8b: {  	[smem:$0x3FC6] =	sst s0  }
0x8c: {  	_ = 	snop  }
0x8d: {  	s0 =	sld [smem:$0x3FC8]  }
0x8e: {  	s16 =	sld [smem:$0x3FD0];
	(tm) =	ssettm $0x1  }
0x8f: {  	s2 =	sld [smem:$0x3FFB];
	_ =	sdelay $0x3  }
0x90: {  	_ =	strace s2  }
0x91: {  	s2 =	sld [smem:$0x3FFC];
	_ =	sdelay $0x3  }
0x92: {  	_ =	strace s2  }
0x93: {  	s2 =	sld [smem:$0x3FFD];
	_ =	sdelay $0x3  }
0x94: {  	_ =	strace s2  }
0x95: {  	_ =	strace $0x8FFFFFFF  }
0x96: {  	s17 =	sld [smem:$0x3FDB];
	_ =	sdelay $0x1  }
0x97: {  	s3 =	simm.s32 $_scs_section_size  }
0x98: {  	s4 =	simm.s32 $_size__tile_overlayer_lowered;
	s5 =	simm.s32 $_tile_overlayer_lowered  }
0x99: {  	s20 =	simm.s32 $0x1BFF;
	s19 =	sshll.u32 s5, $0x1;
	s2 =	sadd.s32 s3, s17  }
0x9a: {  	s6 =	simm.s32 $0x0;
	s18 =	sshll.u32 s4, $0x1;
	s4 =	sadd.s32 s19, s2  }
0x9b: {  	[timem:s6], [sflag:s20] =	dma.local [hbm:s4], s18  }
0x9c: {  	_ =	swait.ge [sflag:s20], s18  }
0x9d: {  	s3 =	ssub.s32 $0x0, s18;
	[sflag:s20] =	ssyncset.done $0x0  }
0x9e: {  	[sflag:s20] =	ssyncadd.s32 s3;
	_ =	sdelay $0x1  }
0x9f: {  	s21 =	simm.s32 $0x1B8B  }
0xa0: {  	_ =	swait.ge [sflag:s21], $0x1  }
0xa1: {  	[sflag:s21] =	ssyncset.done $0x0  }
0xa2: {  	s23 =	simm.s32 $0x1B8E;
	s22 =	sld [smem:$0x3FFE];
	[sflag:s21] =	ssyncadd.s32 $0xFFFFFFFF  }
0xa3: {  	s24 =	simm.s32 $execute0_lowered;
	[smem:$0x3FD2] =	sst s23  }
0xa4: {  	s4 =	sshll.u32 s24, $0x1;
	_ =	strace $0x80000046;
	[dreg:$0x1] =	wrdreg $0xFFFFFFFF  }
0xa5: {  	s25 =	simm.s32 $_size_execute0_lowered;
	s2 =	sadd.s32 s2, s4;
	[dreg:$0x0] =	wrdreg $0x0  }
0xa6: {  	s4 =	sshll.u32 s25, $0x1;
	[dreg:$0x2] =	wrdreg s2  }
0xa7: {  	[dreg:$0x3] =	wrdreg s4  }
0xa8: {  	[dreg:$0x4] =	wrdreg $0xC0  }
0xa9: {  	_ =	task [dreg:s6], $0x5FFFF  }
0xaa: {  	[dreg:$0x1] =	wrdreg $0xFFFFFFFF  }
0xab: {  	[dreg:$0x0] =	wrdreg $0x60  }
0xac: {  	[dreg:$0x2] =	wrdreg s22  }
0xad: {  	[dreg:$0x3] =	wrdreg s0  }
0xae: {  	[dreg:$0x4] =	wrdreg s16  }
0xaf: {  	[dreg:$0x5] =	wrdreg $0x9  }
0xb0: {  	_ =	task.clear_ibuf [dreg:s6], $0x6FFFF;
	_ =	strace $0x90000046  }
0xb1: {  	s26 =	simm.s32 $0x9;
	_ =	strace $0x80000048  }
0xb2: {  	_ =	swait.ge [sflag:s26], $0x1  }
0xb3: {  	[sflag:s26] =	ssyncadd.s32 $0xFFFFFFFF  }
0xb4: {  	_ =	strace $0x90000048  }
0xb5: {  	_ =	sfence  }
0xb6: {  	s28 =	sld [smem:$0x0];
	_ =	sdelay $0x1  }
0xb7: {  	s29 =	srdreg.scid  }
0xb8: {  	s30 =	sshll.u32 s29, $0xD;
	s31 =	sshrl.u32 s29, $0x2  }
0xb9: {  	s1 =	sand.u32 $0x1, s29;
	s2 =	sand.u32 $0x4000, s30;
	s0 =	sadd.s32 s31, s28  }
0xba: {  	s1 =	sor.u32 s2, s1;
	s0 =	sshll.u32 s0, $0x11  }
0xbb: {  	s0 =	sor.u32 s0, s1  }
0xbc: {  	s0 =	sadd.s32 $0x8F2B, s0  }
0xbd: {  	[sflag:s0] =	ssyncadd.remote.s32 $0x1  }
0xbe: {  	_ =	sfence.sel $0xFFFF  }
0xbf: {  	[dreg:$0x0] =	wrdreg $0xFFFFFFFF;
	(pc) =	sbr.abs _section_cstart, $3  }
0xc0: {  	[dreg:$0x1] =	wrdreg $0xFFFFFFFF  }
0xc1: {  	_ =	task.clear_ibuf [dreg:s6], $0x2FFFF;
	_ =	strace $0x9FFFFFFF  }
0xc2: {  	(tm) =	ssettm $0x7FFFFFFF  }
0xc3: {  	_ =	shalt  }
tec
execute0_lowered:
.L_overlay_start_1:
0x0: {  	(tag) =	ssettag $0x1  }
0x1: {  	s3 =	rddreg [dreg:$0x0]  }
0x2: {  	s4 =	rddreg [dreg:$0x1]  }
0x3: {  	s1 =	rddreg [dreg:$0x2]  }
0x4: {  	s0 =	rddreg [dreg:$0x3];
	s2 =	simm.s32 $0x0;
	s5 =	stileid.u32  }
0x5: {  	[smem:$0x7FF] =	sst s2;
	s6 =	sshll.u32 s5, $0x8;
	p0 =	sne.s32 s5, $0x0  }
0x6: {  	s5 =	sshll.u32 s5, $0x7;
	s3 =	sadd.s32 s6, s3;
	s6 =	simm.s32 @!p0 $0x0  }
0x7: {  	_ =	strace $0x80000047;
	s3 =	sadd.s32 $0x400, s3;
	[smem:$0x0] =	sst @!p0 s6  }
0x8: {  	[tilespmem:s2], [sflag:$0x1] =	stream.linear.gather [hbm4b:s3+s2], $0x800, $0x38;
	[tilespmem:$0xC80] =	vst v63  }
0x9: {  	s19 =	simm.s32 $0x800;
	s18 =	sadd.s32 s4, s5;
	[smem:$0x1] =	sst @!p0 s6  }
0xa: {  	[tilespmem:s19], [sflag:$0x2] =	stream.linear.gather [hbm4b:s18+s2], $0x400, $0x38;
	[tilespmem:$0xC80] =	vst v63  }
0xb: {  	s20 =	simm.s32 $0x1;
	[bflag:$0x0] =	sbarrier.arrive $0xFFFF  }
0xc: {  	_ =	swait.ge [sflag:s20], $0x800  }
0xd: {  	[sflag:s20] =	ssyncset.done $0x0  }
0xe: {  	s21 =	simm.s32 $0x2;
	[sflag:s20] =	ssyncadd.s32 $0xFFFFF800  }
0xf: {  	_ =	swait.ge [sflag:s21], $0x400  }
0x10: {  	v0 =	vlaneseq.u32;
	s23 =	simm.s32 $0x0;
	[sflag:s21] =	ssyncset.done $0x0  }
0x11: {  	s22 =	simm.s32 $0x840;
	v1 =	vmul.u32 $0x2, v0;
	v3 =	vmov s23;
	[sflag:s21] =	ssyncadd.s32 $0xFFFFFC00  }
0x12: {  	s26 =	simm.s32 $0x40;
	v3 =	vshll.u32 v3, $0x1;
	v6 =	vld [tilespmem:s22+$0xFFFFFFF0]  }
0x13: {  	v10 =	vmov s26;
	v3 =	vor.u32 v1, v3;
	v8 =	vld [tilespmem:s22+$0xFFFFFFE0]  }
0x14: {  	s24 =	simm.s32 $0x10;
	v10 =	vshll.u32 v10, $0x1;
	v9 =	vor.u32 $0x1, v3;
	v11 =	vld [tilespmem:s22+$0x10]  }
0x15: {  	s25 =	simm.s32 $0x20;
	s28 =	simm.s32 $0x30;
	v4 =	vmov s24;
	v0 =	vimm.s32 $0x0;
	v10 =	vor.u32 v1, v10;
	v14 =	vld [tilespmem:s22+$0x20]  }
0x16: {  	s29 =	simm.s32 $0x50;
	s30 =	simm.s32 $0x60;
	s31 =	simm.s32 $0x70;
	v7 =	vmov s25;
	v12 =	vmov s28;
	v18 =	vor.u32 $0x1, v10;
	v16 =	vld [tilespmem:s22+$0xFFFFFFD0]  }
0x17: {  	v15 =	vmov s29;
	v19 =	vmov s30;
	v57 =	vmov s31;
	v17 =	vld [tilespmem:s22+$0xFFFFFFC0]  }
0x18: {  	v4 =	vshll.u32 v4, $0x1;
	v7 =	vshll.u32 v7, $0x1;
	v12 =	vshll.u32 v12, $0x1;
	v3 =	vld.idx.msk [tilespmem:v3+s2+$0x0], $0xffff  }
0x19: {  	v15 =	vshll.u32 v15, $0x1;
	v19 =	vshll.u32 v19, $0x1;
	v4 =	vor.u32 v1, v4;
	v9 =	vld.idx.msk [tilespmem:v9+s2+$0x0], $0xffff  }
0x1a: {  	v12 =	vor.u32 v1, v12;
	v15 =	vor.u32 v1, v15;
	v7 =	vor.u32 v1, v7;
	v10 =	vld.idx.msk [tilespmem:v10+s2+$0x0], $0xffff  }
0x1b: {  	v19 =	vor.u32 v1, v19;
	v13 =	vor.u32 $0x1, v4;
	v20 =	vor.u32 $0x1, v15;
	v55 =	vld.idx.msk [tilespmem:v18+s2+$0x0], $0xffff  }
0x1c: {  	v21 =	vor.u32 $0x1, v12;
	v53 =	vor.u32 $0x1, v19;
	v54 =	vor.u32 $0x1, v7;
	v2 =	vld [tilespmem:s22+$0x30]  }
0x1d: {  	v5 =	vld [tilespmem:s22+$0x0];
	v18 =	vshll.u32 v57, $0x1;
	vm1 =	veq.s32 v11, $0x1;
	vm2 =	veq.s32 v14, $0x1  }
0x1e: {  	v4 =	vld.idx.msk [tilespmem:v4+s2+$0x0], $0xffff;
	vm3 =	veq.s32 v16, $0x1;
	vm5 =	veq.s32 v17, $0x1;
	vm4 =	veq.s32 v8, $0x1  }
0x1f: {  	v15 =	vld.idx.msk [tilespmem:v15+s2+$0x0], $0xffff;
	v8 =	vor.u32 v1, v18;
	vm6 =	vgt.f32 v9, v3;
	vm0 =	veq.s32 v6, $0x1  }
0x20: {  	v13 =	vld.idx.msk [tilespmem:v13+s2+$0x0], $0xffff;
	vm7 =	vgt.f32 v55, v10;
	v56 =	vsel vm2, $0x1, v0;
	v22 =	vsel vm5, $0x1, v0  }
0x21: {  	v7 =	vld.idx.msk [tilespmem:v7+s2+$0x0], $0xffff;
	v23 =	vsel vm1, $0x1, v0;
	v58 =	vsel vm3, $0x1, v0;
	v24 =	vsel vm4, $0x1, v0  }
0x22: {  	v11 =	vld.idx.msk [tilespmem:v53+s2+$0x0], $0xffff;
	v25 =	vor.u32 $0x1, v8;
	vm5 =	vmand vm6, vm5;
	v22 =	vadd.s32 v22, v0  }
0x23: {  	v14 =	vld.idx.msk [tilespmem:v54+s2+$0x0], $0xffff;
	v59 =	vsel vm0, $0x1, v0;
	vm6 =	veq.s32 v5, $0x1;
	v3 =	vadd.s32 v58, v22  }
0x24: {  	v5 =	vld.idx.msk [tilespmem:v20+s2+$0x0], $0xffff;
	v60 =	vsel vm5, $0x1, v0;
	vm5 =	vmand vm7, vm6;
	v3 =	vadd.s32 v24, v3  }
0x25: {  	v6 =	vld.idx.msk [tilespmem:v19+s2+$0x0], $0xffff;
	v61 =	vsel vm6, $0x1, v0;
	vm6 =	vgt.f32 v13, v4;
	v9 =	vadd.s32 v59, v3  }
0x26: {  	v3 =	vsel vm5, $0x1, v0;
	vm5 =	vmand vm6, vm3;
	vm3 =	veq.s32 v2, $0x1  }
0x27: {  	v2 =	vadd.s32 v60, v0;
	v4 =	vadd.s32 v61, v9;
	v63 =	vsel vm5, $0x1, v0  }
0x28: {  	v8 =	vld.idx.msk [tilespmem:v8+s2+$0x0], $0xffff;
	vm5 =	vgt.f32 v14, v7;
	v4 =	vadd.s32 v23, v4;
	v10 =	vadd.s32 v63, v2  }
0x29: {  	v62 =	vld.idx.msk [tilespmem:v25+s2+$0x0], $0xffff;
	v2 =	vsel vm3, $0x1, v0;
	vm4 =	vmand vm5, vm4;
	vm5 =	vgt.f32 v5, v15  }
0x2a: {  	v4 =	vadd.s32 v56, v4;
	v5 =	vsel vm4, $0x1, v0;
	vm4 =	vgt.f32 v11, v6;
	v6 =	vld.idx.msk [tilespmem:v21+s2+$0x0], $0xffff  }
0x2b: {  	v2 =	vadd.s32 v2, v4;
	v4 =	vld.idx.msk [tilespmem:v12+s2+$0x0], $0xffff;
	_ =	sdelay $0x2  }
0x2c: {  	vm1 =	vmand vm5, vm1  }
0x2d: {  	s4 =	simm.s32 $0xF0;
	s5 =	simm.s32 $0x8C0;
	s3 =	simm.s32 $0x0;
	v5 =	vadd.s32 v5, v10;
	vm2 =	vmand vm4, vm2;
	vm4 =	vgt.f32 v62, v8  }
.LBB2_1:
0x2e: {  	s6 =	sadd.s32 $0xFFFFFF90, s4;
	s7 =	sadd.s32 $0xFFFFFFA0, s4;
	s8 =	sadd.s32 $0xFFFFFFB0, s4;
	vm5 =	vgt.f32 v6, v4;
	vm3 =	vmand vm4, vm3  }
0x2f: {  	s3 =	sadd.s32 $0x8, s3;
	v4 =	vmov s6;
	v6 =	vmov s7;
	s6 =	sadd.s32 $0xFFFFFFC0, s4;
	s7 =	sadd.s32 $0xFFFFFFD0, s4;
	v7 =	vld [tilespmem:s5+$0x30];
	vm0 =	vmand vm5, vm0  }
0x30: {  	v8 =	vmov s8;
	p1 =	slt.u32 s3, $0x38;
	v4 =	vshll.u32 v4, $0x1;
	v6 =	vshll.u32 v6, $0x1;
	v9 =	vld [tilespmem:s5+$0x0]  }
0x31: {  	v11 =	vsel vm3, $0x1, v0;
	v4 =	vor.u32 v1, v4;
	v6 =	vor.u32 v1, v6;
	v10 =	vld [tilespmem:s5+$0xFFFFFFF0]  }
0x32: {  	v8 =	vshll.u32 v8, $0x1;
	v14 =	vmov s6;
	v12 =	vor.u32 $0x1, v4;
	v13 =	vld [tilespmem:s5+$0xFFFFFFE0]  }
0x33: {  	v17 =	vmov s7;
	s6 =	sadd.s32 $0xFFFFFFF0, s4;
	v18 =	vsel vm0, $0x1, v0;
	v16 =	vor.u32 $0x1, v6;
	v15 =	vld [tilespmem:s5+$0xFFFFFFC0]  }
0x34: {  	s7 =	sadd.s32 $0xFFFFFFE0, s4;
	v14 =	vshll.u32 v14, $0x1;
	v17 =	vshll.u32 v17, $0x1;
	v5 =	vadd.s32 v18, v5;
	v19 =	vld [tilespmem:s5+$0x10]  }
0x35: {  	v18 =	vmov s7;
	v14 =	vor.u32 v1, v14;
	v17 =	vor.u32 v1, v17;
	v20 =	vld [tilespmem:s5+$0x20]  }
0x36: {  	v22 =	vsel vm2, $0x1, v0;
	v18 =	vshll.u32 v18, $0x1;
	v21 =	vor.u32 $0x1, v17;
	v6 =	vld.idx.msk [tilespmem:v6+s2+$0x0], $0xffff  }
0x37: {  	v24 =	vmov s6;
	v18 =	vor.u32 v1, v18;
	v23 =	vld [tilespmem:s5+$0xFFFFFFD0]  }
0x38: {  	v26 =	vsel vm1, $0x1, v0;
	v25 =	vld.idx.msk [tilespmem:v4+s2+$0x0], $0xffff;
	v4 =	vor.u32 v1, v8;
	v8 =	vor.u32 $0x1, v18  }
0x39: {  	v24 =	vshll.u32 v24, $0x1;
	v3 =	vadd.s32 v3, v5;
	v27 =	vor.u32 $0x1, v14;
	v12 =	vld.idx.msk [tilespmem:v12+s2+$0x0], $0xffff  }
0x3a: {  	v3 =	vadd.s32 v26, v3;
	vm1 =	veq.s32 v19, $0x1;
	v5 =	vld.idx.msk [tilespmem:v17+s2+$0x0], $0xffff;
	v17 =	vor.u32 v1, v24  }
0x3b: {  	v3 =	vadd.s32 v22, v3;
	vm2 =	veq.s32 v20, $0x1;
	v19 =	vld.idx.msk [tilespmem:v21+s2+$0x0], $0xffff;
	v21 =	vor.u32 $0x1, v17  }
0x3c: {  	v11 =	vadd.s32 v11, v3;
	v20 =	vor.u32 $0x1, v4;
	vm3 =	veq.s32 v23, $0x1;
	v18 =	vld.idx.msk [tilespmem:v18+s2+$0x0], $0xffff  }
0x3d: {  	vm5 =	veq.s32 v15, $0x1;
	v15 =	vsel vm2, $0x1, v0;
	v3 =	vld.idx.msk [tilespmem:v16+s2+$0x0], $0xffff;
	v16 =	vmov s4  }
0x3e: {  	v22 =	vsel vm5, $0x1, v0;
	v24 =	vsel vm1, $0x1, v0;
	v23 =	vld.idx.msk [tilespmem:v4+s2+$0x0], $0xffff;
	v16 =	vshll.u32 v16, $0x1  }
0x3f: {  	vm4 =	veq.s32 v13, $0x1;
	v2 =	vadd.s32 v22, v2;
	v4 =	vld.idx.msk [tilespmem:v14+s2+$0x0], $0xffff;
	v13 =	vor.u32 v1, v16  }
0x40: {  	v14 =	vsel vm3, $0x1, v0;
	v16 =	vsel vm4, $0x1, v0;
	v21 =	vld.idx.msk [tilespmem:v21+s2+$0x0], $0xffff;
	v22 =	vor.u32 $0x1, v13  }
0x41: {  	vm0 =	veq.s32 v10, $0x1;
	vm6 =	vgt.f32 v12, v25;
	v2 =	vadd.s32 v14, v2;
	v10 =	vld.idx.msk [tilespmem:v17+s2+$0x0], $0xffff  }
0x42: {  	vm5 =	vmand vm6, vm5;
	v14 =	vsel vm0, $0x1, v0;
	v2 =	vadd.s32 v16, v2;
	v12 =	vld.idx.msk [tilespmem:v20+s2+$0x0], $0xffff  }
0x43: {  	vm6 =	veq.s32 v9, $0x1;
	vm7 =	vgt.f32 v19, v5;
	v2 =	vadd.s32 v14, v2;
	v5 =	vld.idx.msk [tilespmem:v8+s2+$0x0], $0xffff  }
0x44: {  	v9 =	vsel vm6, $0x1, v0;
	v8 =	vsel vm5, $0x1, v0;
	vm5 =	vmand vm7, vm6;
	v13 =	vld.idx.msk [tilespmem:v13+s2+$0x0], $0xffff  }
0x45: {  	vm6 =	vgt.f32 v3, v6;
	v2 =	vadd.s32 v9, v2;
	v3 =	vsel vm5, $0x1, v0;
	v9 =	vld.idx.msk [tilespmem:v22+s2+$0x0], $0xffff  }
0x46: {  	vm5 =	vmand vm6, vm3;
	v2 =	vadd.s32 v24, v2;
	vm3 =	veq.s32 v7, $0x1;
	v6 =	vld.idx.msk [tilespmem:v27+s2+$0x0], $0xffff  }
.Ltmp0:
0x47: {  	v7 =	vadd.s32 v8, v11;
	v8 =	vsel vm5, $0x1, v0;
	v2 =	vadd.s32 v15, v2;
	(pc) =	sbr.rel @p1 .LBB2_1-.Ltmp0, $4  }
0x48: {  	v7 =	vadd.s32 v8, v7;
	v8 =	vsel vm3, $0x1, v0;
	vm5 =	vgt.f32 v12, v23  }
0x49: {  	v2 =	vadd.s32 v8, v2;
	vm4 =	vmand vm5, vm4;
	vm5 =	vgt.f32 v5, v18  }
0x4a: {  	v5 =	vsel vm4, $0x1, v0;
	vm1 =	vmand vm5, vm1;
	vm4 =	vgt.f32 v21, v10  }
0x4b: {  	s5 =	sadd.s32 $0x80, s5;
	s4 =	sadd.s32 $0x80, s4;
	v5 =	vadd.s32 v5, v7;
	vm2 =	vmand vm4, vm2;
	vm4 =	vgt.f32 v9, v13  }
0x4c: {  	vm5 =	vgt.f32 v6, v4  }
0x4d: {  	vm0 =	vmand vm5, vm0  }
0x4e: {  	v1 =	vsel vm0, $0x1, v0  }
0x4f: {  	v1 =	vadd.s32 v1, v5  }
0x50: {  	v60 =	vsel vm1, $0x1, v0;
	v1 =	vadd.s32 v3, v1  }
0x51: {  	vm15 =	vmand vm4, vm3;
	v61 =	vsel vm2, $0x1, v0;
	v1 =	vadd.s32 v60, v1  }
0x52: {  	v62 =	vsel vm15, $0x1, v0;
	v1 =	vadd.s32 v61, v1  }
0x53: {  	v0 =	vadd.s32 v62, v1  }
0x54: {  	(xrf0) =	vadd.scan.msk.s32 $0xffff, v0;
	_ =	sdelay $0x5  }
0x55: {  	v0, _, _ =	vpop (xrf0)  }
0x56: {  	(v2sf) =	vpush v0, $0xF;
	_ =	sdelay $0xd  }
0x57: {  	s2 =	simm.s32 $0x3  }
0x58: {  	s4 =	simm.s32 $0x0;
	[sflag:s2] =	ssyncset.done $0x0;
	s3 =	spop (v2sf)  }
0x59: {  	[smem:s4], [sflag:$0x3] =	smem.add.s32 s3  }
0x5a: {  	_ =	swait.done [sflag:s2]  }
0x5b: {  	(xrf0) =	vadd.scan.msk.s32 $0xffff, v2;
	_ =	sdelay $0x5  }
0x5c: {  	v63, _, _ =	vpop (xrf0)  }
0x5d: {  	(v2sf) =	vpush v63, $0xF;
	_ =	sdelay $0xc  }
0x5e: {  	[sflag:s2] =	ssyncset.s32 $0x0  }
0x5f: {  	s29 =	simm.s32 $0x4;
	[sflag:s2] =	ssyncset.done $0x0  }
0x60: {  	s31 =	simm.s32 $0x1;
	[sflag:s29] =	ssyncset.done $0x0;
	s30 =	spop (v2sf)  }
0x61: {  	[smem:s31], [sflag:$0x4] =	smem.add.s32 s30  }
0x62: {  	_ =	swait.done [sflag:s29]  }
0x63: {  	[sflag:s29] =	ssyncset.s32 $0x0  }
0x64: {  	[sflag:s29] =	ssyncset.done $0x0  }
0x65: {  	[bflag:$0x0] =	sbarrier.arrive $0xFFFF  }
0x66: {  	_ =	sfence.sel @p0 $0x180000  }
0x67: {  	[bflag:$0x0] =	sbarrier.arrive @p0 $0xFFFF  }
0x68: {  	_ =	strace @p0 $0x90000047  }
0x69: {  	[bflag:$0x2] =	sbarrier.arrive @p0 $0xFFFF  }
0x6a: {  	s2 =	sld @!p0 [smem:$0x1];
	_ =	sdelay $0x2  }
0x6b: {  	s2 =	scvt.s32.f32 @!p0 s2;
	_ =	sdelay $0x1  }
0x6c: {  	s2 =	sadd.f32 @!p0 $1.000000010e-10, s2;
	_ =	sdelay $0x1  }
0x6d: {  	v0 =	vmov @!p0 s2  }
0x6e: {  	v0 =	vsub.s32 @!p0 $0x7EF311C3, v0  }
0x6f: {  	v1 =	vmul.f32 @!p0 s2, v0;
	_ =	sdelay $0x1  }
0x70: {  	v1 =	vsub.f32 @!p0 $2.000000000e+00, v1;
	_ =	sdelay $0x1  }
0x71: {  	v0 =	vmul.f32 @!p0 v0, v1;
	_ =	sdelay $0x1  }
0x72: {  	v1 =	vmul.f32 @!p0 s2, v0;
	_ =	sdelay $0x1  }
0x73: {  	v1 =	vsub.f32 @!p0 $2.000000000e+00, v1;
	_ =	sdelay $0x1  }
0x74: {  	v0 =	vmul.f32 @!p0 v1, v0;
	_ =	sdelay $0x1  }
0x75: {  	v1 =	vmul.f32 @!p0 s2, v0;
	_ =	sdelay $0x1  }
0x76: {  	v1 =	vsub.f32 @!p0 $2.000000000e+00, v1;
	_ =	sdelay $0x1  }
0x77: {  	v0 =	vmul.f32 @!p0 v1, v0;
	_ =	sdelay $0x1  }
0x78: {  	v1 =	vmul.f32 @!p0 s2, v0  }
0x79: {  	s2 =	sld @!p0 [smem:$0x0]  }
0x7a: {  	v1 =	vsub.f32 @!p0 $2.000000000e+00, v1;
	_ =	sdelay $0x1  }
0x7b: {  	s2 =	scvt.s32.f32 @!p0 s2;
	v0 =	vmul.f32 @!p0 v1, v0;
	_ =	sdelay $0x1  }
0x7c: {  	v0 =	vmul.f32 @!p0 s2, v0;
	_ =	sdelay $0x1  }
0x7d: {  	s3 =	simm.s32 @!p0 $0xC00;
	s2 =	simm.s32 @!p0 $0x0;
	[tilespmem:$0xC00] =	vst @!p0 v0  }
0x7e: {  	[hbm4b:s1+s2] =	stream.linear.scatter @!p0 [tilespmem:s3], [sflag:$0x5], $0x80, $0x38;
	[tilespmem:$0xC80] =	vst v63  }
0x7f: {  	s1 =	simm.s32 @!p0 $0x5  }
0x80: {  	_ =	swait.ge @!p0 [sflag:s1], $0x80  }
0x81: {  	[sflag:s1] =	ssyncset.done @!p0 $0x0  }
0x82: {  	[sflag:s1] =	ssyncadd.s32 @!p0 $0xFFFFFF80  }
0x83: {  	_ =	sfence.sel @!p0 $0x180000  }
0x84: {  	[bflag:$0x0] =	sbarrier.arrive @!p0 $0xFFFF  }
0x85: {  	_ =	strace @!p0 $0x90000047  }
0x86: {  	s0 =	sadd.s32 @!p0 $0x100000, s0;
	[bflag:$0x2] =	sbarrier.arrive @!p0 $0xFFFF  }
0x87: {  	[sflag:s0] =	ssyncadd.tile.s32 @!p0 $0x1;
	_ =	shalt  }
.Lfunc_end2:
_tile_overlayer_lowered:
.L_overlay_start_2:
0x88: {  	(tag) =	ssettag $0x2  }
0x89: {  	s0 =	rddreg [dreg:$0x0];
	s2 =	stileid.u32  }
0x8a: {  	s1 =	rddreg [dreg:$0x1];
	p0 =	sne.s32 s2, $0x0  }
0x8b: {  	s3 =	rddreg [dreg:$0x2];
	[bflag:$0x3] =	sbarrier.arrive $0xFFFF;
	s2 =	simm.s32 @!p0 $0x1C03  }
0x8c: {  	[timem:s3], [sflag:s2] =	dma.local @!p0 [hbm:s0], s1  }
0x8d: {  	s0 =	simm.s32 @!p0 $0x3  }
0x8e: {  	_ =	swait.ge @!p0 [sflag:s0], s1  }
0x8f: {  	s1 =	ssub.s32 @!p0 $0x0, s1;
	[sflag:s0] =	ssyncset.done @!p0 $0x0  }
0x90: {  	[sflag:s0] =	ssyncadd.s32 @!p0 s1  }
0x91: {  	[bflag:$0x3] =	sbarrier.arrive $0xFFFF  }
0x92: {  	_ =	shalt  }

</sc_bundles>
